<compile_context>
chip_gen: v7x
topology: tpu7x:2x2x1
jax: 0.10.2.dev20260603
libtpu: 0.0.44.dev20260713+nightly
codegen_flags: <defaults>
</compile_context>

<pallas_src>
import jax
import jax.numpy as jnp
from jax import lax
from jax.experimental import pallas as pl
from jax.experimental.pallas import tpu as pltpu
from jax.experimental.pallas import tpu_sc as plsc

_BSZ = 32768
_NCLS = 512
_NGRAPH = 16
_L = 16
_NSUB = 16
_CHUNK = _BSZ // _NSUB

_LN2 = 0.6931471805599453


def _ln_vec(v):
    bits = plsc.bitcast(v, jnp.int32)
    e = ((bits >> 23) & 0xFF) - 127
    mant = plsc.bitcast((bits & 0x7FFFFF) | (127 << 23), jnp.float32)
    u = (mant - 1.0) / (mant + 1.0)
    u2 = u * u
    poly = 1.0 + u2 * (1.0 / 3.0 + u2 * (1.0 / 5.0 + u2 * (1.0 / 7.0 + u2 * (1.0 / 9.0))))
    return e.astype(jnp.float32) * _LN2 + 2.0 * u * poly


def _sc_body(x_hbm, idx_hbm, var_hbm, flag_hbm,
             idx_v, p_v, row_v, loss_st, h1d, l1d, sh_hist, sh_loss):
    s = lax.axis_index("s")

    pltpu.sync_copy(idx_hbm.at[pl.ds(s * _CHUNK, _CHUNK)], idx_v)
    p_v[...] = jnp.zeros((_L,), jnp.int32)
    ones = jnp.ones((_L,), jnp.int32)

    def _hist(i, carry):
        plsc.store_scatter(p_v, [idx_v[pl.ds(i * _L, _L)]], ones)
        return carry

    lax.fori_loop(0, _CHUNK // _L, _hist, 0)
    pltpu.sync_copy(p_v, sh_hist.at[pl.ds(s * _L, _L)])

    pltpu.sync_copy(x_hbm.at[pl.ds(s * _NCLS, _NCLS)], row_v)

    def _rmax(i, mv):
        return jnp.maximum(mv, row_v[pl.ds(i * _L, _L)])

    m = jnp.max(lax.fori_loop(1, _NCLS // _L, _rmax, row_v[pl.ds(0, _L)]))
    mb = jnp.broadcast_to(m, (_L,))

    def _rsum(i, acc):
        return acc + jnp.exp(row_v[pl.ds(i * _L, _L)] - mb)

    acc = lax.fori_loop(0, _NCLS // _L, _rsum, jnp.zeros((_L,), jnp.float32))
    ssum = jnp.sum(acc)
    x0 = row_v[pl.ds(0, _L)][0]
    loss_st[...] = mb + _ln_vec(jnp.broadcast_to(ssum, (_L,))) \
        - jnp.broadcast_to(x0, (_L,))
    pltpu.sync_copy(loss_st, sh_loss.at[pl.ds(s * _L, _L)])

    plsc.subcore_barrier()

    @pl.when(s == 0)
    def _combine():
        pltpu.sync_copy(sh_hist, h1d)
        pltpu.sync_copy(sh_loss, l1d)

        def _pmax(r, pres):
            return jnp.maximum(pres, h1d[pl.ds(r * _L, _L)])

        pres = lax.fori_loop(1, _NSUB, _pmax, h1d[pl.ds(0, _L)])
        strided = jnp.arange(_L, dtype=jnp.int32) * _L
        loss = plsc.load_gather(l1d, [strided])
        pf = (pres > 0).astype(jnp.float32)
        nv = jnp.broadcast_to(jnp.sum(pf), (_L,))
        meanv = jnp.broadcast_to(jnp.sum(loss * pf), (_L,)) / nv
        d = loss - meanv
        loss_st[...] = jnp.broadcast_to(jnp.sum(d * d * pf), (_L,)) / (nv - 1.0)
        pltpu.sync_copy(loss_st, var_hbm)
        p_v[...] = (nv == 1.0).astype(jnp.int32)
        pltpu.sync_copy(p_v, flag_hbm)


_sc_call = pl.kernel(
    _sc_body,
    out_type=[
        jax.ShapeDtypeStruct((_L,), jnp.float32),
        jax.ShapeDtypeStruct((_L,), jnp.int32),
    ],
    mesh=plsc.VectorSubcoreMesh(core_axis_name="c", subcore_axis_name="s",
                                num_cores=1),
    compiler_params=pltpu.CompilerParams(needs_layout_passes=False),
    scratch_types=[
        pltpu.VMEM((_CHUNK,), jnp.int32),
        pltpu.VMEM((_L,), jnp.int32),
        pltpu.VMEM((_NCLS,), jnp.float32),
        pltpu.VMEM((_L,), jnp.float32),
        pltpu.VMEM((_NSUB * _L,), jnp.int32),
        pltpu.VMEM((_NSUB * _L,), jnp.float32),
        pltpu.VMEM_SHARED((_NSUB * _L,), jnp.int32),
        pltpu.VMEM_SHARED((_NSUB * _L,), jnp.float32),
    ],
)


def kernel(x, graph_idx, device):
    idx = graph_idx.astype(jnp.int32)
    xs = x[:_NGRAPH].reshape(-1)
    var, flag = _sc_call(xs, idx)
    return var[0], flag[0] == 1

# --- scband reference (transcript-rebuilt; emitter-appended) ---
"""Pipeline reference for scband-ncesoftmax-loss-var-1477468750344 (READ-ONLY COPY).

The authoritative reference and input builder live on the scoring server;
editing this copy changes nothing except your own understanding.
"""

import jax, jax.numpy as jnp
import numpy as np

BSZ = 32768
NCLS = 512
NGRAPH = 16

def setup_inputs(seed: int = 0) -> dict:
    key = jax.random.key(seed)
    k1, k2 = jax.random.split(key)
    x = jax.random.normal(k1, (BSZ, NCLS), dtype=jnp.float32)
    graph_idx = jnp.sort(jax.random.randint(k2, (BSZ,), 0, NGRAPH)).astype(jnp.int64)
    return {"x": x, "graph_idx": graph_idx, "device": 0}

def reference(x, graph_idx, device):
    # x.squeeze()
    xs = jnp.squeeze(x)
    # nn.CrossEntropyLoss(reduction='none') with label = zeros:
    # loss_i = logsumexp(x_i) - x_i[0]
    loss = jax.nn.logsumexp(xs, axis=1) - xs[:, 0]
    # unique_graph = list(set(graph_idx)); for small non-negative ints
    # Python set iteration order == sorted order == jnp.unique order
    ids = jnp.arange(NGRAPH, dtype=graph_idx.dtype)
    present = (graph_idx[None, :] == ids[:, None]).any(axis=1)
    # NOTE: original code (faithfully reproduced) indexes loss[index] (the graph id),
    # not loss[i]; sum/count therefore collapses to loss[index] exactly.
    vals = loss[ids]
    maskf = present.astype(loss.dtype)
    n = jnp.sum(maskf)
    flag = jnp.sum(present) == 1
    # torch.var defaults to unbiased (ddof=1)
    mean = jnp.sum(vals * maskf) / n
    var = jnp.sum(jnp.square(vals - mean) * maskf) / (n - 1)
    return (var, flag)

if __name__ == "__main__":
    import jax
    _d = setup_inputs()
    print(jax.jit(kernel)(*tuple(_d.values())))

</pallas_src>

<mosaic_0001>
#map = affine_map<(d0, d1) -> (0)>
module attributes {stable_mosaic.version = 14 : i64} {
  func.func @_sc_body(%arg0: i32, %arg1: i32, %arg2: memref<8192xf32, #tpu.memory_space<hbm>>, %arg3: memref<32768xi32, #tpu.memory_space<hbm>>, %arg4: memref<16xf32, #tpu.memory_space<hbm>>, %arg5: memref<16xi32, #tpu.memory_space<hbm>>, %arg6: memref<2048xi32, #tpu.memory_space<vmem>>, %arg7: memref<16xi32, #tpu.memory_space<vmem>>, %arg8: memref<512xf32, #tpu.memory_space<vmem>>, %arg9: memref<16xf32, #tpu.memory_space<vmem>>, %arg10: memref<256xi32, #tpu.memory_space<vmem>>, %arg11: memref<256xf32, #tpu.memory_space<vmem>>, %arg12: memref<256xi32, #tpu.memory_space<vmem_shared>>, %arg13: memref<256xf32, #tpu.memory_space<vmem_shared>>) attributes {dimension_semantics = [#tpu.dimension_semantics<core_parallel>, #tpu.dimension_semantics<subcore_parallel>], iteration_bounds = array<i64: 1, 16>, scalar_prefetch = 0 : i64, scratch_operands = 8 : i64, tpu.core_type = #tpu.core_type<sc_vector_subcore>, window_params = [{transform_indices = #map}, {transform_indices = #map}, {transform_indices = #map}, {transform_indices = #map}]} {
    %mul3A = arith.constant 2048 : i32
    %mul3A_0 = arith.muli %arg1, %mul3A : i32
    "tpu.region"() ({
      %run_scoped3A = tpu.sem_alloc : memref<!tpu.dma_semaphore, #tpu.memory_space<semaphore_mem>>
      %dma_start3A = tpu.memref_slice %arg3[%mul3A_0] : memref<32768xi32, #tpu.memory_space<hbm>> -> memref<2048xi32, #tpu.memory_space<hbm>>
      %dma_start3A_93 = tpu.memref_slice %arg3[%mul3A_0] : memref<32768xi32, #tpu.memory_space<hbm>> -> memref<2048xi32, #tpu.memory_space<hbm>>
      tpu.enqueue_dma source(%dma_start3A_93 : memref<2048xi32, #tpu.memory_space<hbm>>) target(%arg6 : memref<2048xi32, #tpu.memory_space<vmem>>) target_semaphore(%run_scoped3A : memref<!tpu.dma_semaphore, #tpu.memory_space<semaphore_mem>>)
      %dma_wait3A = tpu.memref_slice %arg3[%mul3A_0] : memref<32768xi32, #tpu.memory_space<hbm>> -> memref<2048xi32, #tpu.memory_space<hbm>>
      %dma_wait3A_94 = tpu.memref_slice %arg3[%mul3A_0] : memref<32768xi32, #tpu.memory_space<hbm>> -> memref<2048xi32, #tpu.memory_space<hbm>>
      tpu.wait_dma2 semaphore(%run_scoped3A : memref<!tpu.dma_semaphore, #tpu.memory_space<semaphore_mem>>) src(%dma_wait3A_94 : memref<2048xi32, #tpu.memory_space<hbm>>) dst(%arg6 : memref<2048xi32, #tpu.memory_space<vmem>>)
      tpu.yield
    }) : () -> ()
    %broadcast_in_dim3A = arith.constant 0 : i32
    %broadcast_in_dim3A_1 = vector.broadcast %broadcast_in_dim3A : i32 to vector<16xi32>
    %swap3A = arith.constant 0 : index
    %swap3A_2 = tpu.vector_load %arg7[%swap3A] {strides = array<i32>} : memref<16xi32, #tpu.memory_space<vmem>>, vector<16xi32>,
    tpu.vector_store %arg7[%swap3A], %broadcast_in_dim3A_1 {strides = array<i32>} : memref<16xi32, #tpu.memory_space<vmem>>, vector<16xi32>,
    %broadcast_in_dim3A_3 = arith.constant 1 : i32
    %broadcast_in_dim3A_4 = vector.broadcast %broadcast_in_dim3A_3 : i32 to vector<16xi32>
    %scan3A = arith.constant 0 : i32
    %scan3A_5 = arith.constant 0 : i32
    %scan3A_6 = arith.constant 128 : i32
    %scan3A_7 = arith.addi %scan3A_5, %scan3A_6 : i32
    %scan3A_8 = arith.constant 1 : i32
    scf.for %scan3A_93 = %scan3A_5 to %scan3A_7 step %scan3A_8  : i32 {
      %mul3A_94 = arith.constant 16 : i32
      %mul3A_95 = arith.muli %scan3A_93, %mul3A_94 : i32
      %get3A_96 = arith.index_cast %mul3A_95 : i32 to index
      %get3A_97 = tpu.vector_load %arg6[%get3A_96] {strides = array<i32>} : memref<2048xi32, #tpu.memory_space<vmem>>, vector<16xi32>,
      tpu.vector_store_idx %arg7[%get3A_97], %broadcast_in_dim3A_4 : memref<16xi32, #tpu.memory_space<vmem>>[vector<16xi32>], vector<16xi32>,
    }
    %scan3A_9 = arith.constant 128 : i32
    %mul3A_10 = arith.constant 16 : i32
    %mul3A_11 = arith.muli %arg1, %mul3A_10 : i32
    "tpu.region"() ({
      %run_scoped3A = tpu.sem_alloc : memref<!tpu.dma_semaphore, #tpu.memory_space<semaphore_mem>>
      %dma_start3A = tpu.memref_slice %arg12[%mul3A_11] : memref<256xi32, #tpu.memory_space<vmem_shared>> -> memref<16xi32, #tpu.memory_space<vmem_shared>>
      %dma_start3A_93 = tpu.memref_slice %arg12[%mul3A_11] : memref<256xi32, #tpu.memory_space<vmem_shared>> -> memref<16xi32, #tpu.memory_space<vmem_shared>>
      tpu.enqueue_dma source(%arg7 : memref<16xi32, #tpu.memory_space<vmem>>) target(%dma_start3A_93 : memref<16xi32, #tpu.memory_space<vmem_shared>>) target_semaphore(%run_scoped3A : memref<!tpu.dma_semaphore, #tpu.memory_space<semaphore_mem>>)
      %dma_wait3A = tpu.memref_slice %arg12[%mul3A_11] : memref<256xi32, #tpu.memory_space<vmem_shared>> -> memref<16xi32, #tpu.memory_space<vmem_shared>>
      %dma_wait3A_94 = tpu.memref_slice %arg12[%mul3A_11] : memref<256xi32, #tpu.memory_space<vmem_shared>> -> memref<16xi32, #tpu.memory_space<vmem_shared>>
      tpu.wait_dma2 semaphore(%run_scoped3A : memref<!tpu.dma_semaphore, #tpu.memory_space<semaphore_mem>>) src(%arg7 : memref<16xi32, #tpu.memory_space<vmem>>) dst(%dma_wait3A_94 : memref<16xi32, #tpu.memory_space<vmem_shared>>)
      tpu.yield
    }) : () -> ()
    %mul3A_12 = arith.constant 512 : i32
    %mul3A_13 = arith.muli %arg1, %mul3A_12 : i32
    "tpu.region"() ({
      %run_scoped3A = tpu.sem_alloc : memref<!tpu.dma_semaphore, #tpu.memory_space<semaphore_mem>>
      %dma_start3A = tpu.memref_slice %arg2[%mul3A_13] : memref<8192xf32, #tpu.memory_space<hbm>> -> memref<512xf32, #tpu.memory_space<hbm>>
      %dma_start3A_93 = tpu.memref_slice %arg2[%mul3A_13] : memref<8192xf32, #tpu.memory_space<hbm>> -> memref<512xf32, #tpu.memory_space<hbm>>
      tpu.enqueue_dma source(%dma_start3A_93 : memref<512xf32, #tpu.memory_space<hbm>>) target(%arg8 : memref<512xf32, #tpu.memory_space<vmem>>) target_semaphore(%run_scoped3A : memref<!tpu.dma_semaphore, #tpu.memory_space<semaphore_mem>>)
      %dma_wait3A = tpu.memref_slice %arg2[%mul3A_13] : memref<8192xf32, #tpu.memory_space<hbm>> -> memref<512xf32, #tpu.memory_space<hbm>>
      %dma_wait3A_94 = tpu.memref_slice %arg2[%mul3A_13] : memref<8192xf32, #tpu.memory_space<hbm>> -> memref<512xf32, #tpu.memory_space<hbm>>
      tpu.wait_dma2 semaphore(%run_scoped3A : memref<!tpu.dma_semaphore, #tpu.memory_space<semaphore_mem>>) src(%dma_wait3A_94 : memref<512xf32, #tpu.memory_space<hbm>>) dst(%arg8 : memref<512xf32, #tpu.memory_space<vmem>>)
      tpu.yield
    }) : () -> ()
    %get3A = arith.constant 0 : index
    %get3A_14 = tpu.vector_load %arg8[%get3A] {strides = array<i32>} : memref<512xf32, #tpu.memory_space<vmem>>, vector<16xf32>,
    %scan3A_15 = arith.constant 1 : i32
    %scan3A_16 = arith.constant 31 : i32
    %scan3A_17 = arith.addi %scan3A_15, %scan3A_16 : i32
    %scan3A_18 = arith.constant 1 : i32
    %scan3A_19 = scf.for %scan3A_93 = %scan3A_15 to %scan3A_17 step %scan3A_18 iter_args(%scan3A_94 = %get3A_14) -> (vector<16xf32>)  : i32 {
      %mul3A_95 = arith.constant 16 : i32
      %mul3A_96 = arith.muli %scan3A_93, %mul3A_95 : i32
      %get3A_97 = arith.index_cast %mul3A_96 : i32 to index
      %get3A_98 = tpu.vector_load %arg8[%get3A_97] {strides = array<i32>} : memref<512xf32, #tpu.memory_space<vmem>>, vector<16xf32>,
      %max3A = arith.maximumf %scan3A_94, %get3A_98 : vector<16xf32>
      scf.yield %max3A : vector<16xf32>
    }
    %scan3A_20 = arith.constant 31 : i32
    %reduce_max3A = arith.constant true
    %reduce_max3A_21 = vector.broadcast %reduce_max3A : i1 to vector<16xi1>
    %reduce_max3A_22 = tpu.scan <max>, %scan3A_19 masked %reduce_max3A_21 : vector<16xf32>, vector<16xi1> -> vector<16xf32>
    %reduce_max3A_23 = vector.extract %reduce_max3A_22[15] : f32 from vector<16xf32>
    %broadcast_in_dim3A_24 = vector.broadcast %reduce_max3A_23 : f32 to vector<16xf32>
    %broadcast_in_dim3A_25 = arith.constant 0.000000e+00 : f32
    %broadcast_in_dim3A_26 = vector.broadcast %broadcast_in_dim3A_25 : f32 to vector<16xf32>
    %scan3A_27 = arith.constant 0 : i32
    %scan3A_28 = arith.constant 32 : i32
    %scan3A_29 = arith.addi %scan3A_27, %scan3A_28 : i32
    %scan3A_30 = arith.constant 1 : i32
    %scan3A_31 = scf.for %scan3A_93 = %scan3A_27 to %scan3A_29 step %scan3A_30 iter_args(%scan3A_94 = %broadcast_in_dim3A_26) -> (vector<16xf32>)  : i32 {
      %mul3A_95 = arith.constant 16 : i32
      %mul3A_96 = arith.muli %scan3A_93, %mul3A_95 : i32
      %get3A_97 = arith.index_cast %mul3A_96 : i32 to index
      %get3A_98 = tpu.vector_load %arg8[%get3A_97] {strides = array<i32>} : memref<512xf32, #tpu.memory_space<vmem>>, vector<16xf32>,
      %sub3A_99 = arith.subf %get3A_98, %broadcast_in_dim3A_24 : vector<16xf32>
      %exp3A = math.exp %sub3A_99 : vector<16xf32>
      %add3A_100 = arith.addf %scan3A_94, %exp3A : vector<16xf32>
      scf.yield %add3A_100 : vector<16xf32>
    }
    %scan3A_32 = arith.constant 32 : i32
    %reduce_sum3A = arith.constant true
    %reduce_sum3A_33 = vector.broadcast %reduce_sum3A : i1 to vector<16xi1>
    %reduce_sum3A_34 = tpu.scan <sum>, %scan3A_31 masked %reduce_sum3A_33 : vector<16xf32>, vector<16xi1> -> vector<16xf32>
    %reduce_sum3A_35 = vector.extract %reduce_sum3A_34[15] : f32 from vector<16xf32>
    %get3A_36 = arith.constant 0 : index
    %get3A_37 = tpu.vector_load %arg8[%get3A_36] {strides = array<i32>} : memref<512xf32, #tpu.memory_space<vmem>>, vector<16xf32>,
    %slice3A = vector.extract_strided_slice %get3A_37 {offsets = [0], sizes = [1], strides = [1]} : vector<16xf32> to vector<1xf32>
    %squeeze3A = vector.extract %slice3A[0] : f32 from vector<1xf32>
    %broadcast_in_dim3A_38 = vector.broadcast %reduce_sum3A_35 : f32 to vector<16xf32>
    %bitcast3A = vector.bitcast %broadcast_in_dim3A_38 : vector<16xf32> to vector<16xi32>
    %shift_right_arithmetic3A = arith.constant 23 : i32
    %shift_right_arithmetic3A_39 = vector.broadcast %shift_right_arithmetic3A : i32 to vector<16xi32>
    %shift_right_arithmetic3A_40 = arith.shrsi %bitcast3A, %shift_right_arithmetic3A_39 : vector<16xi32>
    %and3A = arith.constant 255 : i32
    %and3A_41 = vector.broadcast %and3A : i32 to vector<16xi32>
    %and3A_42 = arith.andi %shift_right_arithmetic3A_40, %and3A_41 : vector<16xi32>
    %sub3A = arith.constant 127 : i32
    %sub3A_43 = vector.broadcast %sub3A : i32 to vector<16xi32>
    %sub3A_44 = arith.subi %and3A_42, %sub3A_43 : vector<16xi32>
    %and3A_45 = arith.constant 8388607 : i32
    %and3A_46 = vector.broadcast %and3A_45 : i32 to vector<16xi32>
    %and3A_47 = arith.andi %bitcast3A, %and3A_46 : vector<16xi32>
    %or3A = arith.constant 1065353216 : i32
    %or3A_48 = vector.broadcast %or3A : i32 to vector<16xi32>
    %or3A_49 = arith.ori %and3A_47, %or3A_48 : vector<16xi32>
    %bitcast3A_50 = vector.bitcast %or3A_49 : vector<16xi32> to vector<16xf32>
    %sub3A_51 = arith.constant 1.000000e+00 : f32
    %sub3A_52 = vector.broadcast %sub3A_51 : f32 to vector<16xf32>
    %sub3A_53 = arith.subf %bitcast3A_50, %sub3A_52 : vector<16xf32>
    %add3A = arith.constant 1.000000e+00 : f32
    %add3A_54 = vector.broadcast %add3A : f32 to vector<16xf32>
    %add3A_55 = arith.addf %bitcast3A_50, %add3A_54 : vector<16xf32>
    %div3A = arith.divf %sub3A_53, %add3A_55 : vector<16xf32>
    %mul3A_56 = arith.mulf %div3A, %div3A : vector<16xf32>
    %mul3A_57 = arith.constant 0.111111112 : f32
    %mul3A_58 = vector.broadcast %mul3A_57 : f32 to vector<16xf32>
    %mul3A_59 = arith.mulf %mul3A_56, %mul3A_58 : vector<16xf32>
    %add3A_60 = arith.constant 0.142857149 : f32
    %add3A_61 = vector.broadcast %add3A_60 : f32 to vector<16xf32>
    %add3A_62 = arith.addf %add3A_61, %mul3A_59 : vector<16xf32>
    %mul3A_63 = arith.mulf %mul3A_56, %add3A_62 : vector<16xf32>
    %add3A_64 = arith.constant 2.000000e-01 : f32
    %add3A_65 = vector.broadcast %add3A_64 : f32 to vector<16xf32>
    %add3A_66 = arith.addf %add3A_65, %mul3A_63 : vector<16xf32>
    %mul3A_67 = arith.mulf %mul3A_56, %add3A_66 : vector<16xf32>
    %add3A_68 = arith.constant 0.333333343 : f32
    %add3A_69 = vector.broadcast %add3A_68 : f32 to vector<16xf32>
    %add3A_70 = arith.addf %add3A_69, %mul3A_67 : vector<16xf32>
    %mul3A_71 = arith.mulf %mul3A_56, %add3A_70 : vector<16xf32>
    %add3A_72 = arith.constant 1.000000e+00 : f32
    %add3A_73 = vector.broadcast %add3A_72 : f32 to vector<16xf32>
    %add3A_74 = arith.addf %add3A_73, %mul3A_71 : vector<16xf32>
    %convert_element_type3A = arith.sitofp %sub3A_44 : vector<16xi32> to vector<16xf32>
    %mul3A_75 = arith.constant 0.693147182 : f32
    %mul3A_76 = vector.broadcast %mul3A_75 : f32 to vector<16xf32>
    %mul3A_77 = arith.mulf %convert_element_type3A, %mul3A_76 : vector<16xf32>
    %mul3A_78 = arith.constant 2.000000e+00 : f32
    %mul3A_79 = vector.broadcast %mul3A_78 : f32 to vector<16xf32>
    %mul3A_80 = arith.mulf %mul3A_79, %div3A : vector<16xf32>
    %mul3A_81 = arith.mulf %mul3A_80, %add3A_74 : vector<16xf32>
    %add3A_82 = arith.addf %mul3A_77, %mul3A_81 : vector<16xf32>
    %add3A_83 = arith.addf %broadcast_in_dim3A_24, %add3A_82 : vector<16xf32>
    %broadcast_in_dim3A_84 = vector.broadcast %squeeze3A : f32 to vector<16xf32>
    %sub3A_85 = arith.subf %add3A_83, %broadcast_in_dim3A_84 : vector<16xf32>
    %swap3A_86 = arith.constant 0 : index
    %swap3A_87 = tpu.vector_load %arg9[%swap3A_86] {strides = array<i32>} : memref<16xf32, #tpu.memory_space<vmem>>, vector<16xf32>,
    tpu.vector_store %arg9[%swap3A_86], %sub3A_85 {strides = array<i32>} : memref<16xf32, #tpu.memory_space<vmem>>, vector<16xf32>,
    %mul3A_88 = arith.constant 16 : i32
    %mul3A_89 = arith.muli %arg1, %mul3A_88 : i32
    "tpu.region"() ({
      %run_scoped3A = tpu.sem_alloc : memref<!tpu.dma_semaphore, #tpu.memory_space<semaphore_mem>>
      %dma_start3A = tpu.memref_slice %arg13[%mul3A_89] : memref<256xf32, #tpu.memory_space<vmem_shared>> -> memref<16xf32, #tpu.memory_space<vmem_shared>>
      %dma_start3A_93 = tpu.memref_slice %arg13[%mul3A_89] : memref<256xf32, #tpu.memory_space<vmem_shared>> -> memref<16xf32, #tpu.memory_space<vmem_shared>>
      tpu.enqueue_dma source(%arg9 : memref<16xf32, #tpu.memory_space<vmem>>) target(%dma_start3A_93 : memref<16xf32, #tpu.memory_space<vmem_shared>>) target_semaphore(%run_scoped3A : memref<!tpu.dma_semaphore, #tpu.memory_space<semaphore_mem>>)
      %dma_wait3A = tpu.memref_slice %arg13[%mul3A_89] : memref<256xf32, #tpu.memory_space<vmem_shared>> -> memref<16xf32, #tpu.memory_space<vmem_shared>>
      %dma_wait3A_94 = tpu.memref_slice %arg13[%mul3A_89] : memref<256xf32, #tpu.memory_space<vmem_shared>> -> memref<16xf32, #tpu.memory_space<vmem_shared>>
      tpu.wait_dma2 semaphore(%run_scoped3A : memref<!tpu.dma_semaphore, #tpu.memory_space<semaphore_mem>>) src(%arg9 : memref<16xf32, #tpu.memory_space<vmem>>) dst(%dma_wait3A_94 : memref<16xf32, #tpu.memory_space<vmem_shared>>)
      tpu.yield
    }) : () -> ()
    %barrier3A = arith.constant 0 : index
    tpu.barrier barrier_id(%barrier3A)
    %eq3A = arith.constant 0 : i32
    %eq3A_90 = arith.cmpi eq, %arg1, %eq3A : i32
    %convert_element_type3A_91 = arith.extui %eq3A_90 : i1 to i32
    %cond3A = arith.constant 0 : i32
    %cond3A_92 = arith.cmpi ne, %convert_element_type3A_91, %cond3A : i32
    scf.if %cond3A_92 {
      "tpu.region"() ({
        %run_scoped3A = tpu.sem_alloc : memref<!tpu.dma_semaphore, #tpu.memory_space<semaphore_mem>>
        tpu.enqueue_dma source(%arg12 : memref<256xi32, #tpu.memory_space<vmem_shared>>) target(%arg10 : memref<256xi32, #tpu.memory_space<vmem>>) target_semaphore(%run_scoped3A : memref<!tpu.dma_semaphore, #tpu.memory_space<semaphore_mem>>)
        tpu.wait_dma2 semaphore(%run_scoped3A : memref<!tpu.dma_semaphore, #tpu.memory_space<semaphore_mem>>) src(%arg12 : memref<256xi32, #tpu.memory_space<vmem_shared>>) dst(%arg10 : memref<256xi32, #tpu.memory_space<vmem>>)
        tpu.yield
      }) : () -> ()
      "tpu.region"() ({
        %run_scoped3A = tpu.sem_alloc : memref<!tpu.dma_semaphore, #tpu.memory_space<semaphore_mem>>
        tpu.enqueue_dma source(%arg13 : memref<256xf32, #tpu.memory_space<vmem_shared>>) target(%arg11 : memref<256xf32, #tpu.memory_space<vmem>>) target_semaphore(%run_scoped3A : memref<!tpu.dma_semaphore, #tpu.memory_space<semaphore_mem>>)
        tpu.wait_dma2 semaphore(%run_scoped3A : memref<!tpu.dma_semaphore, #tpu.memory_space<semaphore_mem>>) src(%arg13 : memref<256xf32, #tpu.memory_space<vmem_shared>>) dst(%arg11 : memref<256xf32, #tpu.memory_space<vmem>>)
        tpu.yield
      }) : () -> ()
      %get3A_93 = arith.constant 0 : index
      %get3A_94 = tpu.vector_load %arg10[%get3A_93] {strides = array<i32>} : memref<256xi32, #tpu.memory_space<vmem>>, vector<16xi32>,
      %scan3A_95 = arith.constant 1 : i32
      %scan3A_96 = arith.constant 15 : i32
      %scan3A_97 = arith.addi %scan3A_95, %scan3A_96 : i32
      %scan3A_98 = arith.constant 1 : i32
      %scan3A_99 = scf.for %scan3A_140 = %scan3A_95 to %scan3A_97 step %scan3A_98 iter_args(%scan3A_141 = %get3A_94) -> (vector<16xi32>)  : i32 {
        %mul3A_142 = arith.constant 16 : i32
        %mul3A_143 = arith.muli %scan3A_140, %mul3A_142 : i32
        %get3A_144 = arith.index_cast %mul3A_143 : i32 to index
        %get3A_145 = tpu.vector_load %arg10[%get3A_144] {strides = array<i32>} : memref<256xi32, #tpu.memory_space<vmem>>, vector<16xi32>,
        %max3A = arith.maxsi %scan3A_141, %get3A_145 : vector<16xi32>
        scf.yield %max3A : vector<16xi32>
      }
      %scan3A_100 = arith.constant 15 : i32
      %iota3A = tpu.iota {dimensions = array<i32: 0>} : vector<16xi32>
      %mul3A_101 = arith.constant 16 : i32
      %mul3A_102 = vector.broadcast %mul3A_101 : i32 to vector<16xi32>
      %mul3A_103 = arith.muli %iota3A, %mul3A_102 : vector<16xi32>
      %gather3A = tpu.vector_load_idx %arg11[%mul3A_103] : memref<256xf32, #tpu.memory_space<vmem>>[vector<16xi32>], vector<16xf32>,
      %gt3A = arith.constant 0 : i32
      %gt3A_104 = vector.broadcast %gt3A : i32 to vector<16xi32>
      %gt3A_105 = arith.cmpi sgt, %scan3A_99, %gt3A_104 : vector<16xi32>
      %convert_element_type3A_106 = arith.extui %gt3A_105 : vector<16xi1> to vector<16xi32>
      %convert_element_type3A_107 = arith.sitofp %convert_element_type3A_106 : vector<16xi32> to vector<16xf32>
      %reduce_sum3A_108 = arith.constant true
      %reduce_sum3A_109 = vector.broadcast %reduce_sum3A_108 : i1 to vector<16xi1>
      %reduce_sum3A_110 = tpu.scan <sum>, %convert_element_type3A_107 masked %reduce_sum3A_109 : vector<16xf32>, vector<16xi1> -> vector<16xf32>
      %reduce_sum3A_111 = vector.extract %reduce_sum3A_110[15] : f32 from vector<16xf32>
      %broadcast_in_dim3A_112 = vector.broadcast %reduce_sum3A_111 : f32 to vector<16xf32>
      %mul3A_113 = arith.mulf %gather3A, %convert_element_type3A_107 : vector<16xf32>
      %reduce_sum3A_114 = arith.constant true
      %reduce_sum3A_115 = vector.broadcast %reduce_sum3A_114 : i1 to vector<16xi1>
      %reduce_sum3A_116 = tpu.scan <sum>, %mul3A_113 masked %reduce_sum3A_115 : vector<16xf32>, vector<16xi1> -> vector<16xf32>
      %reduce_sum3A_117 = vector.extract %reduce_sum3A_116[15] : f32 from vector<16xf32>
      %broadcast_in_dim3A_118 = vector.broadcast %reduce_sum3A_117 : f32 to vector<16xf32>
      %div3A_119 = arith.divf %broadcast_in_dim3A_118, %broadcast_in_dim3A_112 : vector<16xf32>
      %sub3A_120 = arith.subf %gather3A, %div3A_119 : vector<16xf32>
      %mul3A_121 = arith.mulf %sub3A_120, %sub3A_120 : vector<16xf32>
      %mul3A_122 = arith.mulf %mul3A_121, %convert_element_type3A_107 : vector<16xf32>
      %reduce_sum3A_123 = arith.constant true
      %reduce_sum3A_124 = vector.broadcast %reduce_sum3A_123 : i1 to vector<16xi1>
      %reduce_sum3A_125 = tpu.scan <sum>, %mul3A_122 masked %reduce_sum3A_124 : vector<16xf32>, vector<16xi1> -> vector<16xf32>
      %reduce_sum3A_126 = vector.extract %reduce_sum3A_125[15] : f32 from vector<16xf32>
      %broadcast_in_dim3A_127 = vector.broadcast %reduce_sum3A_126 : f32 to vector<16xf32>
      %sub3A_128 = arith.constant 1.000000e+00 : f32
      %sub3A_129 = vector.broadcast %sub3A_128 : f32 to vector<16xf32>
      %sub3A_130 = arith.subf %broadcast_in_dim3A_112, %sub3A_129 : vector<16xf32>
      %div3A_131 = arith.divf %broadcast_in_dim3A_127, %sub3A_130 : vector<16xf32>
      %swap3A_132 = arith.constant 0 : index
      %swap3A_133 = tpu.vector_load %arg9[%swap3A_132] {strides = array<i32>} : memref<16xf32, #tpu.memory_space<vmem>>, vector<16xf32>,
      tpu.vector_store %arg9[%swap3A_132], %div3A_131 {strides = array<i32>} : memref<16xf32, #tpu.memory_space<vmem>>, vector<16xf32>,
      "tpu.region"() ({
        %run_scoped3A = tpu.sem_alloc : memref<!tpu.dma_semaphore, #tpu.memory_space<semaphore_mem>>
        tpu.enqueue_dma source(%arg9 : memref<16xf32, #tpu.memory_space<vmem>>) target(%arg4 : memref<16xf32, #tpu.memory_space<hbm>>) target_semaphore(%run_scoped3A : memref<!tpu.dma_semaphore, #tpu.memory_space<semaphore_mem>>)
        tpu.wait_dma2 semaphore(%run_scoped3A : memref<!tpu.dma_semaphore, #tpu.memory_space<semaphore_mem>>) src(%arg9 : memref<16xf32, #tpu.memory_space<vmem>>) dst(%arg4 : memref<16xf32, #tpu.memory_space<hbm>>)
        tpu.yield
      }) : () -> ()
      %eq3A_134 = arith.constant 1.000000e+00 : f32
      %eq3A_135 = vector.broadcast %eq3A_134 : f32 to vector<16xf32>
      %eq3A_136 = arith.cmpf oeq, %broadcast_in_dim3A_112, %eq3A_135 : vector<16xf32>
      %convert_element_type3A_137 = arith.extui %eq3A_136 : vector<16xi1> to vector<16xi32>
      %swap3A_138 = arith.constant 0 : index
      %swap3A_139 = tpu.vector_load %arg7[%swap3A_138] {strides = array<i32>} : memref<16xi32, #tpu.memory_space<vmem>>, vector<16xi32>,
      tpu.vector_store %arg7[%swap3A_138], %convert_element_type3A_137 {strides = array<i32>} : memref<16xi32, #tpu.memory_space<vmem>>, vector<16xi32>,
      "tpu.region"() ({
        %run_scoped3A = tpu.sem_alloc : memref<!tpu.dma_semaphore, #tpu.memory_space<semaphore_mem>>
        tpu.enqueue_dma source(%arg7 : memref<16xi32, #tpu.memory_space<vmem>>) target(%arg5 : memref<16xi32, #tpu.memory_space<hbm>>) target_semaphore(%run_scoped3A : memref<!tpu.dma_semaphore, #tpu.memory_space<semaphore_mem>>)
        tpu.wait_dma2 semaphore(%run_scoped3A : memref<!tpu.dma_semaphore, #tpu.memory_space<semaphore_mem>>) src(%arg7 : memref<16xi32, #tpu.memory_space<vmem>>) dst(%arg5 : memref<16xi32, #tpu.memory_space<hbm>>)
        tpu.yield
      }) : () -> ()
    } else {
    }
    return
  }
}

</mosaic_0001>

<sc_bundles>
// kernel: kernel.3.cloned.1.call-start
scs
__scs_entry_jumppad:
0x0: {  	(pc) =	sbr.rel $0x88, $3  }
0x1: {  	(tag) =	ssettag $0x0;
	lr =	simm.s32 $0x1  }
0x2: {  	[smem:$0x3F9F] =	sst lr;
	_ =	strace $0xD0000000  }
0x3: {  	_ = 	snop  }
0x4: {  	_ = 	snop  }
0x5: {  	_ = 	snop  }
0x6: {  	_ = 	snop  }
0x7: {  	_ = 	snop  }
__scs_overlays_trampoline_lowered:
0x8: {  	[smem:$0x3FAE] =	sst s0  }
0x9: {  	[smem:$0x3FAF] =	sst s1  }
0xa: {  	[smem:$0x3FB0] =	sst s2  }
0xb: {  	[smem:$0x3FB1] =	sst s3  }
0xc: {  	[smem:$0x3FB2] =	sst s4  }
0xd: {  	[smem:$0x3FB3] =	sst s5  }
0xe: {  	[smem:$0x3FB4] =	sst s6  }
0xf: {  	[smem:$0x3FB5] =	sst s7  }
0x10: {  	[smem:$0x3FB6] =	sst s8  }
0x11: {  	[smem:$0x3FB7] =	sst s9;
	s0 =	simm.s32 @!p0 $0x0  }
0x12: {  	s1 =	sld [smem:$0x3F9D];
	s0 =	simm.s32 @p0 $0x1  }
0x13: {  	[smem:$0x3FB8] =	sst s0;
	s0 =	simm.s32 @!p1 $0x0  }
0x14: {  	s2 =	sld [smem:$0x3F9C];
	s0 =	simm.s32 @p1 $0x1  }
0x15: {  	[smem:$0x3FB9] =	sst s0;
	s0 =	simm.s32 @!p2 $0x0  }
0x16: {  	s3 =	sld [smem:$0x3FDB];
	s0 =	simm.s32 @p2 $0x1  }
0x17: {  	s4 =	simm.s32 $0x1BF5;
	[smem:$0x3FBB] =	sst s0  }
0x18: {  	s0 =	sld [smem:$0x3F9E];
	_ =	swait.ge [sflag:s4], $0x0  }
0x19: {  	s7 =	sld [smem:$0x3F9F]  }
0x1a: {  	s8 =	sadd.s32 $0xFFFFE003, lr  }
0x1b: {  	s9 =	sadd.s32 $0xFFFFFEF7, lr;
	s5 =	simm.s32 $0xFFFFFFFF;
	p2 =	slt.u32 s8, $0xFFFFF086  }
0x1c: {  	p1 =	slt.u32 s9, $0xF7A;
	s5 =	simm.s32 @!p2 $0x0  }
0x1d: {  	s5 =	simm.s32 @p1 $0x1;
	p0 =	seq.s32 s7, s2  }
0x1e: {  	s7 =	smul.u32 @!p0 $0xF7A, s2;
	p2 =	seq.s32 @!p0 s5, $0x0  }
0x1f: {  	s9 =	smul.u32 $0xF7A, s1;
	s8 =	simm.s32 @!p0 $0x1BF5;
	p2 =	por !p2, p0  }
0x20: {  	[sflag:s8] =	ssyncset.s32 @!p0 $0xFFFFF086;
	s6 =	sadd.s32 @!p0 s3, s7;
	s7 =	simm.s32 @!p0 $0x108  }
0x21: {  	s3 =	sadd.s32 s3, s9;
	s6 =	sadd.s32 @!p0 $0x88, s6;
	s7 =	simm.s32 @p2 $0x1082  }
0x22: {  	[simem:s7], [sflag:s8] =	dma.local @!p0 [hbm:s6], $0xF7A  }
0x23: {  	s9 =	sor.u32 $0xD0000000, s2;
	s6 =	simm.s32 $0x108;
	_ =	swait.ge @!p0 [sflag:s8], $0x0  }
0x24: {  	s3 =	sadd.s32 $0x88, s3;
	s6 =	simm.s32 @!p1 $0x1082;
	[sflag:s4] =	ssyncset.s32 $0xFFFFF086  }
0x25: {  	[simem:s6], [sflag:s4] =	dma.local [hbm:s3], $0xF7A  }
0x26: {  	[smem:$0x3F9F] =	sst s1;
	(tag) =	ssettag s2;
	_ =	strace s9  }
0x27: {  	s1 =	sld [smem:$0x3FAF]  }
0x28: {  	s2 =	sld [smem:$0x3FB0]  }
0x29: {  	s4 =	sld [smem:$0x3FB2]  }
0x2a: {  	p0 =	seq.s32 s5, $0x0;
	s5 =	sld [smem:$0x3FB3]  }
0x2b: {  	s6 =	sld [smem:$0x3FB4]  }
0x2c: {  	s7 =	sld [smem:$0x3FB5]  }
0x2d: {  	s3 =	simm.s32 $0x108;
	s8 =	sld [smem:$0x3FB6]  }
0x2e: {  	s3 =	simm.s32 @!p0 $0x1082;
	s9 =	sld [smem:$0x3FB7]  }
0x2f: {  	lr =	sadd.s32 s0, s3;
	s0 =	sld [smem:$0x3FAE]  }
0x30: {  	s3 =	sld [smem:$0x3FB1]  }
0x31: {  	[smem:$0x3FBA] =	sst s10  }
0x32: {  	s10 =	sld [smem:$0x3FB8];
	_ =	sdelay $0x3  }
0x33: {  	p0 =	seq.s32 s10, $0x1;
	s10 =	sld [smem:$0x3FBA];
	_ =	sdelay $0x3  }
0x34: {  	[smem:$0x3FBA] =	sst s10  }
0x35: {  	s10 =	sld [smem:$0x3FB9];
	_ =	sdelay $0x3  }
0x36: {  	p1 =	seq.s32 s10, $0x1;
	s10 =	sld [smem:$0x3FBA];
	_ =	sdelay $0x3  }
0x37: {  	[smem:$0x3FBA] =	sst s10  }
0x38: {  	s10 =	sld [smem:$0x3FBB]  }
0x39: {  	_ = 	snop;
	(pc) =	sbr.ind lr, $3  }
0x3a: {  	_ = 	snop  }
0x3b: {  	_ = 	snop  }
0x3c: {  	p2 =	seq.s32 s10, $0x1;
	s10 =	sld [smem:$0x3FBA]  }
0x3d: {  	_ =	shalt  }
0x3e: {  	_ =	shalt  }
0x3f: {  	_ =	shalt  }
0x40: {  	_ =	shalt  }
0x41: {  	_ =	shalt  }
0x42: {  	_ =	shalt  }
0x43: {  	_ =	shalt  }
0x44: {  	_ =	shalt  }
0x45: {  	_ =	shalt  }
0x46: {  	_ =	shalt  }
0x47: {  	_ =	shalt  }
0x48: {  	_ =	shalt  }
0x49: {  	_ =	shalt  }
0x4a: {  	_ =	shalt  }
0x4b: {  	_ =	shalt  }
0x4c: {  	_ =	shalt  }
0x4d: {  	_ =	shalt  }
0x4e: {  	_ =	shalt  }
0x4f: {  	_ =	shalt  }
0x50: {  	_ =	shalt  }
0x51: {  	_ =	shalt  }
0x52: {  	_ =	shalt  }
0x53: {  	_ =	shalt  }
0x54: {  	_ =	shalt  }
0x55: {  	_ =	shalt  }
0x56: {  	_ =	shalt  }
0x57: {  	_ =	shalt  }
0x58: {  	_ =	shalt  }
0x59: {  	_ =	shalt  }
0x5a: {  	_ =	shalt  }
0x5b: {  	_ =	shalt  }
0x5c: {  	_ =	shalt  }
0x5d: {  	_ =	shalt  }
0x5e: {  	_ =	shalt  }
0x5f: {  	_ =	shalt  }
0x60: {  	_ =	shalt  }
0x61: {  	_ =	shalt  }
0x62: {  	_ =	shalt  }
0x63: {  	_ =	shalt  }
0x64: {  	_ =	shalt  }
0x65: {  	_ =	shalt  }
0x66: {  	_ =	shalt  }
0x67: {  	_ =	shalt  }
0x68: {  	_ =	shalt  }
0x69: {  	_ =	shalt  }
0x6a: {  	_ =	shalt  }
0x6b: {  	_ =	shalt  }
0x6c: {  	_ =	shalt  }
0x6d: {  	_ =	shalt  }
0x6e: {  	_ =	shalt  }
0x6f: {  	_ =	shalt  }
0x70: {  	_ =	shalt  }
0x71: {  	_ =	shalt  }
0x72: {  	_ =	shalt  }
0x73: {  	_ =	shalt  }
0x74: {  	_ =	shalt  }
0x75: {  	_ =	shalt  }
0x76: {  	_ =	shalt  }
0x77: {  	_ =	shalt  }
0x78: {  	_ =	shalt  }
0x79: {  	_ =	shalt  }
0x7a: {  	_ =	shalt  }
0x7b: {  	_ =	shalt  }
0x7c: {  	_ =	shalt  }
0x7d: {  	_ =	shalt  }
0x7e: {  	_ =	shalt  }
0x7f: {  	_ =	shalt  }
0x80: {  	_ =	shalt  }
0x81: {  	_ =	shalt  }
0x82: {  	_ =	shalt  }
0x83: {  	_ =	shalt  }
0x84: {  	_ =	shalt  }
0x85: {  	_ =	shalt  }
0x86: {  	_ =	shalt  }
0x87: {  	_ =	shalt  }
.Lfunc_end0:
.L_simem_size_0:
called_computation_lowered:
.L_overlay_start_0:
0x88: {  	s0 =	sld [smem:$0x3FD9]  }
0x89: {  	s1 =	sld [smem:$0x3FFE];
	_ =	sdelay $0x3  }
0x8a: {  	s0 =	sadd.s32 s1, s0  }
0x8b: {  	[smem:$0x3FC6] =	sst s0  }
0x8c: {  	_ = 	snop  }
0x8d: {  	s0 =	sld [smem:$0x3FD0];
	_ =	sdelay $0x2  }
0x8e: {  	s2 =	simm.s32 $0xA;
	s3 =	simm.s32 $0x10;
	s13 =	sld [smem:$0x3FC8]  }
0x8f: {  	[smem:s3], [sflag:s2] =	dma.local [hbm:s0], $0x1  }
0x90: {  	_ =	swait.eq [sflag:s2], $0x1  }
0x91: {  	[sflag:s2] =	ssyncset.done $0x0  }
0x92: {  	[sflag:s2] =	ssyncadd.s32 $0xFFFFFFFF  }
0x93: {  	s14 =	sld [smem:$0x10];
	(tm) =	ssettm $0x1  }
0x94: {  	s15 =	sld [smem:$0x3FFB];
	_ =	sdelay $0x3  }
0x95: {  	_ =	strace s15  }
0x96: {  	s2 =	sld [smem:$0x3FFC];
	_ =	sdelay $0x3  }
0x97: {  	_ =	strace s2  }
0x98: {  	s2 =	sld [smem:$0x3FFD];
	_ =	sdelay $0x3  }
0x99: {  	_ =	strace s2  }
0x9a: {  	_ =	strace $0x8FFFFFFF  }
0x9b: {  	s16 =	sld [smem:$0x3FDB];
	_ =	sdelay $0x1  }
0x9c: {  	s17 =	simm.s32 $_scs_section_size  }
0x9d: {  	s4 =	simm.s32 $_size__tile_overlayer_lowered;
	s5 =	simm.s32 $_tile_overlayer_lowered  }
0x9e: {  	s20 =	simm.s32 $0x1BFF;
	s19 =	sshll.u32 s5, $0x1;
	s2 =	sadd.s32 s17, s16  }
0x9f: {  	s6 =	simm.s32 $0x0;
	s18 =	sshll.u32 s4, $0x1;
	s4 =	sadd.s32 s19, s2  }
0xa0: {  	[timem:s6], [sflag:s20] =	dma.local [hbm:s4], s18  }
0xa1: {  	_ =	swait.ge [sflag:s20], s18  }
0xa2: {  	s3 =	ssub.s32 $0x0, s18;
	[sflag:s20] =	ssyncset.done $0x0  }
0xa3: {  	[sflag:s20] =	ssyncadd.s32 s3;
	_ =	sdelay $0x1  }
0xa4: {  	s21 =	simm.s32 $0x1B8B  }
0xa5: {  	_ =	swait.ge [sflag:s21], $0x1  }
0xa6: {  	[sflag:s21] =	ssyncset.done $0x0  }
0xa7: {  	s23 =	simm.s32 $0x1B8E;
	s22 =	sld [smem:$0x3FFE];
	[sflag:s21] =	ssyncadd.s32 $0xFFFFFFFF  }
0xa8: {  	s24 =	simm.s32 $execute0_lowered;
	[smem:$0x3FD2] =	sst s23  }
0xa9: {  	s4 =	sshll.u32 s24, $0x1;
	_ =	strace $0x80000046;
	[dreg:$0x1] =	wrdreg $0xFFFFFFFF  }
0xaa: {  	s25 =	simm.s32 $_size_execute0_lowered;
	s2 =	sadd.s32 s2, s4;
	[dreg:$0x0] =	wrdreg $0x0  }
0xab: {  	s4 =	sshll.u32 s25, $0x1;
	[dreg:$0x2] =	wrdreg s2  }
0xac: {  	[dreg:$0x3] =	wrdreg s4  }
0xad: {  	[dreg:$0x4] =	wrdreg $0xC0  }
0xae: {  	_ =	task [dreg:s6], $0x5FFFF  }
0xaf: {  	[dreg:$0x1] =	wrdreg $0xFFFFFFFF  }
0xb0: {  	[dreg:$0x0] =	wrdreg $0x60  }
0xb1: {  	[dreg:$0x2] =	wrdreg s22  }
0xb2: {  	[dreg:$0x3] =	wrdreg s13  }
0xb3: {  	[dreg:$0x4] =	wrdreg s14  }
0xb4: {  	[dreg:$0x5] =	wrdreg $0xD000  }
0xb5: {  	[dreg:$0x6] =	wrdreg $0xD100  }
0xb6: {  	[dreg:$0x7] =	wrdreg $0x9  }
0xb7: {  	_ =	task.clear_ibuf [dreg:s6], $0x8FFFF;
	_ =	strace $0x90000046  }
0xb8: {  	s26 =	simm.s32 $0x9;
	_ =	strace $0x80000048  }
0xb9: {  	_ =	swait.ge [sflag:s26], $0x1  }
0xba: {  	[sflag:s26] =	ssyncadd.s32 $0xFFFFFFFF  }
0xbb: {  	_ =	strace $0x90000048  }
0xbc: {  	_ =	sfence  }
0xbd: {  	s28 =	sld [smem:$0x0];
	_ =	sdelay $0x1  }
0xbe: {  	s29 =	srdreg.scid  }
0xbf: {  	s30 =	sshll.u32 s29, $0xD;
	s31 =	sshrl.u32 s29, $0x2  }
0xc0: {  	s1 =	sand.u32 $0x1, s29;
	s2 =	sand.u32 $0x4000, s30;
	s0 =	sadd.s32 s31, s28  }
0xc1: {  	s1 =	sor.u32 s2, s1;
	s0 =	sshll.u32 s0, $0x11  }
0xc2: {  	s0 =	sor.u32 s0, s1  }
0xc3: {  	s0 =	sadd.s32 $0x8F2B, s0  }
0xc4: {  	[sflag:s0] =	ssyncadd.remote.s32 $0x1  }
0xc5: {  	_ =	sfence.sel $0xFFFF  }
0xc6: {  	[dreg:$0x0] =	wrdreg $0xFFFFFFFF;
	(pc) =	sbr.abs _section_cstart, $3  }
0xc7: {  	[dreg:$0x1] =	wrdreg $0xFFFFFFFF  }
0xc8: {  	_ =	task.clear_ibuf [dreg:s6], $0x2FFFF;
	_ =	strace $0x9FFFFFFF  }
0xc9: {  	(tm) =	ssettm $0x7FFFFFFF  }
tec
execute0_lowered:
.L_overlay_start_1:
0x0: {  	(tag) =	ssettag $0x1  }
0x1: {  	s2 =	rddreg [dreg:$0x0]  }
0x2: {  	s6 =	rddreg [dreg:$0x1]  }
0x3: {  	s1 =	rddreg [dreg:$0x2]  }
0x4: {  	s4 =	rddreg [dreg:$0x3]  }
0x5: {  	s3 =	rddreg [dreg:$0x4]  }
0x6: {  	s0 =	rddreg [dreg:$0x5];
	s7 =	simm.s32 $0x0;
	s5 =	stileid.u32  }
0x7: {  	[smem:$0x7FF] =	sst s7;
	s8 =	sshll.u32 s5, $0x8  }
0x8: {  	s31 =	simm.s32 $0x1;
	_ =	strace $0x80000047;
	s6 =	sadd.s32 s6, s8  }
0x9: {  	[tilespmem:s7], [sflag:$0x1] =	stream.linear.gather [hbm4b:s6+s7], $0x800, $0x38;
	[tilespmem:$0xD20] =	vst v63  }
0xa: {  	_ =	swait.ge [sflag:s31], $0x800  }
0xb: {  	[sflag:s31] =	ssyncset.done $0x0  }
0xc: {  	v0 =	vimm.s32 $0x0;
	s9 =	simm.s32 $0x0;
	s8 =	simm.s32 $0x800;
	[sflag:s31] =	ssyncadd.s32 $0xFFFFF800  }
0xd: {  	s7 =	sadd.s32 $0x800, s2;
	s2 =	sadd.s32 $0xC00, s2;
	s6 =	simm.s32 $0x40;
	[tilespmem:$0x800] =	vst v0;
	v0 =	vimm.s32 $0x1  }
.LBB2_1:
0xe: {  	p0 =	sne.s32 s6, $0x1FC0;
	v1 =	vld [tilespmem:s9+$0x0];
	_ =	sdelay $0x3  }
.Ltmp0:
0xf: {  	(pc) =	sbr.rel @p0 .LBB2_1-.Ltmp0, $2  }
0x10: {  	_ =	sdelay $0x2  }
0x11: {  	s9 =	sshra.s32 s6, $0x2;
	s6 =	sadd.s32 $0x40, s6;
	[tilespmem:v1+s8+$0x0] =	vst.idx.msk $0xffff, v0  }
0x12: {  	v1 =	vld [tilespmem:s9+$0x0];
	_ =	sdelay $0x6  }
0x13: {  	s6 =	sshll.u32 s5, $0x4  }
0x14: {  	s24 =	simm.s32 $0x800;
	s25 =	simm.s32 $0x1;
	s23 =	sadd.s32 s6, s4;
	[tilespmem:v1+s8+$0x0] =	vst.idx.msk $0xffff, v0  }
0x15: {  	[spmem:s23] =	stream.linear.scatter [tilespmem:s24], [sflag:$0x1], $0x10, $0x38;
	[tilespmem:$0xD20] =	vst v63  }
0x16: {  	_ =	swait.ge [sflag:s25], $0x10  }
0x17: {  	s26 =	sshll.u32 s5, $0x6;
	s28 =	simm.s32 $0x0;
	[sflag:s25] =	ssyncset.done $0x0  }
0x18: {  	s10 =	simm.s32 $0x880;
	s7 =	sadd.s32 s7, s26;
	[sflag:s25] =	ssyncadd.s32 $0xFFFFFFF0  }
0x19: {  	[tilespmem:s10], [sflag:$0x1] =	stream.linear.gather [hbm4b:s7+s28], $0x200, $0x38;
	[tilespmem:$0xD20] =	vst v63  }
0x1a: {  	_ =	swait.ge [sflag:s25], $0x200  }
0x1b: {  	[sflag:s25] =	ssyncset.done $0x0  }
0x1c: {  	[sflag:s25] =	ssyncadd.s32 $0xFFFFFE00  }
0x1d: {  	v0 =	vld [tilespmem:$0x880]  }
0x1e: {  	v1 =	vld [tilespmem:$0x890]  }
0x1f: {  	v2 =	vld [tilespmem:$0x8A0]  }
0x20: {  	v3 =	vld [tilespmem:$0x8B0]  }
0x21: {  	v4 =	vld [tilespmem:$0x8C0]  }
0x22: {  	v5 =	vld [tilespmem:$0x8D0]  }
0x23: {  	v6 =	vld [tilespmem:$0x8E0];
	v1 =	vmax.f32 v0, v1  }
0x24: {  	v1 =	vmax.f32 v1, v2;
	v2 =	vld [tilespmem:$0x8F0]  }
0x25: {  	v1 =	vmax.f32 v1, v3;
	v3 =	vld [tilespmem:$0x900]  }
0x26: {  	v1 =	vmax.f32 v1, v4;
	v4 =	vld [tilespmem:$0x910]  }
0x27: {  	v1 =	vmax.f32 v1, v5;
	v5 =	vld [tilespmem:$0x920]  }
0x28: {  	v59 =	vld [tilespmem:$0x930];
	v1 =	vmax.f32 v1, v6  }
0x29: {  	v1 =	vmax.f32 v1, v2;
	v2 =	vld [tilespmem:$0x940]  }
0x2a: {  	v1 =	vmax.f32 v1, v3;
	v3 =	vld [tilespmem:$0x950]  }
0x2b: {  	v1 =	vmax.f32 v1, v4;
	v4 =	vld [tilespmem:$0x960]  }
0x2c: {  	v1 =	vmax.f32 v1, v5;
	v5 =	vld [tilespmem:$0x970]  }
0x2d: {  	v60 =	vld [tilespmem:$0x980];
	v1 =	vmax.f32 v1, v59  }
0x2e: {  	v1 =	vmax.f32 v1, v2;
	v2 =	vld [tilespmem:$0x990]  }
0x2f: {  	v1 =	vmax.f32 v1, v3;
	v3 =	vld [tilespmem:$0x9A0]  }
0x30: {  	v1 =	vmax.f32 v1, v4;
	v4 =	vld [tilespmem:$0x9B0]  }
0x31: {  	v1 =	vmax.f32 v1, v5;
	v5 =	vld [tilespmem:$0x9C0]  }
0x32: {  	v61 =	vld [tilespmem:$0x9D0];
	v1 =	vmax.f32 v1, v60  }
0x33: {  	v1 =	vmax.f32 v1, v2;
	v2 =	vld [tilespmem:$0x9E0]  }
0x34: {  	v1 =	vmax.f32 v1, v3;
	v3 =	vld [tilespmem:$0x9F0]  }
0x35: {  	v1 =	vmax.f32 v1, v4;
	v4 =	vld [tilespmem:$0xA00]  }
0x36: {  	v1 =	vmax.f32 v1, v5;
	v5 =	vld [tilespmem:$0xA10]  }
0x37: {  	v62 =	vld [tilespmem:$0xA20];
	v1 =	vmax.f32 v1, v61  }
0x38: {  	v1 =	vmax.f32 v1, v2;
	v2 =	vld [tilespmem:$0xA30]  }
0x39: {  	v1 =	vmax.f32 v1, v3;
	v3 =	vld [tilespmem:$0xA40]  }
0x3a: {  	v1 =	vmax.f32 v1, v4;
	v4 =	vld [tilespmem:$0xA50]  }
0x3b: {  	v1 =	vmax.f32 v1, v5;
	v5 =	vld [tilespmem:$0xA60]  }
0x3c: {  	v63 =	vld [tilespmem:$0xA70];
	v1 =	vmax.f32 v1, v62  }
0x3d: {  	v1 =	vmax.f32 v1, v2  }
0x3e: {  	v1 =	vmax.f32 v1, v3  }
0x3f: {  	v1 =	vmax.f32 v1, v4  }
0x40: {  	v1 =	vmax.f32 v1, v5  }
0x41: {  	v1 =	vmax.f32 v1, v63  }
0x42: {  	(xrf0) =	vmax.scan.msk.f32 $0xffff, v1;
	_ =	sdelay $0x2  }
0x43: {  	s29 =	simm.s32 $0x0  }
0x44: {  	v2 =	vld [tilespmem:s29+$0x880];
	_ =	sdelay $0x1  }
0x45: {  	s30 =	simm.s32 $0x10;
	v1, _, _ =	vpop (xrf0)  }
0x46: {  	v3 =	vld [tilespmem:s30+$0x880];
	v1 =	vbroadcast v1, $0xF;
	_ =	sdelay $0x1  }
0x47: {  	v2 =	vsub.f32 v2, v1;
	_ =	sdelay $0x1  }
0x48: {  	v2 =	vmul.f32 $1.442695020e+00, v2  }
0x49: {  	v3 =	vsub.f32 v3, v1  }
0x4a: {  	(erf) = vpow2.f32 v2  }
0x4b: {  	v4 =	vmul.f32 $1.442695020e+00, v3  }
0x4c: {  	s31 =	simm.s32 $0x20  }
0x4d: {  	v3 =	vld [tilespmem:s31+$0x880];
	(erf) = vpow2.f32 v4;
	_ =	sdelay $0x2  }
0x4e: {  	s7 =	simm.s32 $0xC0;
	v2 =	vimm.f32 $0.0e+00  }
.LBB2_3:
0x4f: {  	p0 =	sne.s32 s7, $0x7C0  }
.Ltmp1:
0x50: {  	s8 =	sshra.s32 s7, $0x2;
	s7 =	sadd.s32 $0x40, s7;
	v4 =	vsub.f32 v3, v1;
	(pc) =	sbr.rel @p0 .LBB2_3-.Ltmp1, $3  }
0x51: {  	v3 =	vld [tilespmem:s8+$0x880];
	v5 =	vpop (erf)  }
0x52: {  	v4 =	vmul.f32 $1.442695020e+00, v4;
	v2 =	vadd.f32 v5, v2;
	_ =	sdelay $0x1  }
0x53: {  	(erf) = vpow2.f32 v4  }
0x54: {  	_ = 	snop  }
0x55: {  	v3 =	vsub.f32 v3, v1;
	_ =	sdelay $0x1  }
0x56: {  	v3 =	vmul.f32 $1.442695020e+00, v3;
	_ =	sdelay $0x1  }
0x57: {  	(erf) = vpow2.f32 v3;
	_ =	sdelay $0x4  }
0x58: {  	v59 =	vpop (erf)  }
0x59: {  	v2 =	vadd.f32 v59, v2  }
0x5a: {  	v60 =	vpop (erf)  }
0x5b: {  	v2 =	vadd.f32 v60, v2  }
0x5c: {  	v61 =	vpop (erf)  }
0x5d: {  	v2 =	vadd.f32 v61, v2;
	_ =	sdelay $0x1  }
0x5e: {  	(xrf2) =	vadd.scan.msk.f32 $0xffff, v2;
	_ =	sdelay $0x9  }
0x5f: {  	v2, _, _ =	vpop (xrf2)  }
0x60: {  	v2 =	vbroadcast v2, $0xF;
	_ =	sdelay $0x1  }
0x61: {  	v62 =	vand.u32 $0x7FFFFF, v2  }
0x62: {  	v3 =	vor.u32 $0x3F800000, v62  }
0x63: {  	v4 =	vadd.f32 $1.000000000e+00, v3;
	_ =	sdelay $0x1  }
0x64: {  	(erf) = vrcp.f32 v4;
	_ =	sdelay $0x7  }
0x65: {  	v3 =	vadd.f32 $-1.000000000e+00, v3  }
0x66: {  	v4 =	vpop (erf)  }
0x67: {  	v3 =	vmul.f32 v4, v3;
	_ =	sdelay $0x1  }
0x68: {  	v4 =	vmul.f32 v3, v3;
	_ =	sdelay $0x1  }
0x69: {  	v5 =	vmul.f32 $1.111111120e-01, v4;
	_ =	sdelay $0x1  }
0x6a: {  	v5 =	vadd.f32 $1.428571490e-01, v5;
	_ =	sdelay $0x1  }
0x6b: {  	v5 =	vmul.f32 v5, v4;
	_ =	sdelay $0x1  }
0x6c: {  	v5 =	vadd.f32 $2.000000030e-01, v5;
	_ =	sdelay $0x1  }
0x6d: {  	v5 =	vmul.f32 v5, v4;
	_ =	sdelay $0x1  }
0x6e: {  	v5 =	vadd.f32 $3.333333430e-01, v5  }
0x6f: {  	v2 =	vshrl.u32 v2, $0x17  }
0x70: {  	v2 =	vand.u32 $0xFF, v2;
	v4 =	vmul.f32 v5, v4  }
0x71: {  	v2 =	vadd.s32 $0xFFFFFF81, v2  }
0x72: {  	v2 =	vcvt.s32.f32 v2;
	v3 =	vadd.f32 v3, v3;
	v4 =	vadd.f32 $1.000000000e+00, v4;
	_ =	sdelay $0x1  }
0x73: {  	v2 =	vmul.f32 $6.931471820e-01, v2;
	v3 =	vmul.f32 v4, v3;
	_ =	sdelay $0x1  }
0x74: {  	v2 =	vadd.f32 v3, v2;
	_ =	sdelay $0x1  }
0x75: {  	v0 =	vbroadcast v0, $0x0;
	v63 =	vadd.f32 v2, v1;
	_ =	sdelay $0x1  }
0x76: {  	v0 =	vsub.f32 v63, v0;
	_ =	sdelay $0x1  }
0x77: {  	s6 =	sadd.s32 s6, s3;
	s7 =	simm.s32 $0xA80;
	[tilespmem:$0xA80] =	vst v0  }
0x78: {  	[spmem:s6] =	stream.linear.scatter [tilespmem:s7], [sflag:$0x1], $0x10, $0x38;
	[tilespmem:$0xD20] =	vst v63  }
0x79: {  	s6 =	simm.s32 $0x1  }
0x7a: {  	_ =	swait.ge [sflag:s6], $0x10  }
0x7b: {  	[sflag:s6] =	ssyncset.done $0x0  }
0x7c: {  	[sflag:s6] =	ssyncadd.s32 $0xFFFFFFF0  }
0x7d: {  	p0 =	sne.s32 s5, $0x0;
	[bflag:$0x0] =	sbarrier.arrive $0xFFFF  }
0x7e: {  	_ =	sfence.sel @p0 $0x180000  }
0x7f: {  	[bflag:$0x0] =	sbarrier.arrive @p0 $0xFFFF  }
0x80: {  	_ =	strace @p0 $0x90000047  }
0x81: {  	[bflag:$0x2] =	sbarrier.arrive @p0 $0xFFFF  }
0x82: {  	_ =	shalt @p0  }
.LBB2_5:
0x83: {  	s5 =	simm.s32 $0xB00  }
0x84: {  	[tilespmem:s5], [sflag:$0x1] =	stream.linear.gather [spmem:s4], $0x100, $0x38;
	[tilespmem:$0xD20] =	vst v63  }
0x85: {  	_ =	swait.ge [sflag:s6], $0x100  }
0x86: {  	[sflag:s6] =	ssyncset.done $0x0  }
0x87: {  	s29 =	simm.s32 $0xC00;
	[sflag:s6] =	ssyncadd.s32 $0xFFFFFF00  }
0x88: {  	[tilespmem:s29], [sflag:$0x1] =	stream.linear.gather [spmem:s3], $0x100, $0x38;
	[tilespmem:$0xD20] =	vst v63  }
0x89: {  	_ =	swait.ge [sflag:s6], $0x100  }
0x8a: {  	[sflag:s6] =	ssyncset.done $0x0  }
0x8b: {  	[sflag:s6] =	ssyncadd.s32 $0xFFFFFF00  }
0x8c: {  	v0 =	vld [tilespmem:$0xB00]  }
0x8d: {  	v1 =	vld [tilespmem:$0xB10];
	_ =	sdelay $0x1  }
0x8e: {  	v2 =	vld [tilespmem:$0xB20];
	_ =	sdelay $0x1  }
0x8f: {  	v3 =	vld [tilespmem:$0xB30]  }
0x90: {  	vm0 =	vgt.s32 v0, v1  }
0x91: {  	v43 =	vld [tilespmem:$0xB40];
	v0 =	vsel vm0, v0, v1  }
0x92: {  	vm0 =	vgt.s32 v0, v2  }
0x93: {  	v44 =	vld [tilespmem:$0xB50];
	v0 =	vsel vm0, v0, v2  }
0x94: {  	vm0 =	vgt.s32 v0, v3  }
0x95: {  	v45 =	vld [tilespmem:$0xB60];
	v0 =	vsel vm0, v0, v3  }
0x96: {  	vm0 =	vgt.s32 v0, v43  }
0x97: {  	v46 =	vld [tilespmem:$0xB70];
	v0 =	vsel vm0, v0, v43  }
0x98: {  	vm0 =	vgt.s32 v0, v44  }
0x99: {  	v47 =	vld [tilespmem:$0xB80];
	v0 =	vsel vm0, v0, v44  }
0x9a: {  	vm0 =	vgt.s32 v0, v45  }
0x9b: {  	v48 =	vld [tilespmem:$0xB90];
	v0 =	vsel vm0, v0, v45  }
0x9c: {  	vm0 =	vgt.s32 v0, v46  }
0x9d: {  	v49 =	vld [tilespmem:$0xBA0];
	v0 =	vsel vm0, v0, v46  }
0x9e: {  	vm0 =	vgt.s32 v0, v47  }
0x9f: {  	v50 =	vld [tilespmem:$0xBB0];
	v0 =	vsel vm0, v0, v47  }
0xa0: {  	vm0 =	vgt.s32 v0, v48  }
0xa1: {  	v51 =	vld [tilespmem:$0xBC0];
	v0 =	vsel vm0, v0, v48  }
0xa2: {  	vm0 =	vgt.s32 v0, v49  }
0xa3: {  	v52 =	vld [tilespmem:$0xBD0];
	v0 =	vsel vm0, v0, v49  }
0xa4: {  	vm0 =	vgt.s32 v0, v50  }
0xa5: {  	v53 =	vld [tilespmem:$0xBE0];
	v0 =	vsel vm0, v0, v50  }
0xa6: {  	vm0 =	vgt.s32 v0, v51  }
0xa7: {  	v54 =	vld [tilespmem:$0xBF0];
	v0 =	vsel vm0, v0, v51  }
0xa8: {  	vm0 =	vgt.s32 v0, v52  }
0xa9: {  	v0 =	vsel vm0, v0, v52  }
0xaa: {  	vm0 =	vgt.s32 v0, v53  }
0xab: {  	v0 =	vsel vm0, v0, v53  }
0xac: {  	v55 =	vlaneseq.u32;
	vm0 =	vgt.s32 v0, v54  }
0xad: {  	v1 =	vmul.u32 $0x10, v55;
	v0 =	vsel vm0, v0, v54  }
0xae: {  	v56 =	vimm.s32 $0x0;
	vm0 =	vgt.s32 v0, $0x0  }
0xaf: {  	v57 =	vsel vm0, $0x3F800000, v56  }
0xb0: {  	(xrf2) =	vadd.scan.msk.f32 $0xffff, v57;
	_ =	sdelay $0x2  }
0xb1: {  	v1 =	vld.idx.msk [tilespmem:v1+s29+$0x0], $0xffff;
	_ =	sdelay $0x4  }
0xb2: {  	v58 =	vmul.f32 v57, v1;
	_ =	sdelay $0x1  }
0xb3: {  	v4, _, _ =	vpop (xrf2);
	(xrf2) =	vadd.scan.msk.f32 $0xffff, v58  }
0xb4: {  	v59 =	vbroadcast v4, $0xF;
	_ =	sdelay $0x1  }
0xb5: {  	(erf) = vrcp.f32 v59;
	_ =	sdelay $0x6  }
0xb6: {  	v60, _, _ =	vpop (xrf2)  }
0xb7: {  	v4 =	vbroadcast v60, $0xF  }
0xb8: {  	v5 =	vpop (erf)  }
0xb9: {  	v4 =	vmul.f32 v4, v5;
	_ =	sdelay $0x1  }
0xba: {  	v1 =	vsub.f32 v1, v4;
	_ =	sdelay $0x1  }
0xbb: {  	v1 =	vmul.f32 v1, v1;
	_ =	sdelay $0x1  }
0xbc: {  	v1 =	vmul.f32 v57, v1;
	_ =	sdelay $0x1  }
0xbd: {  	(xrf2) =	vadd.scan.msk.f32 $0xffff, v1  }
0xbe: {  	v61 =	vadd.f32 $-1.000000000e+00, v59;
	_ =	sdelay $0x1  }
0xbf: {  	(erf) = vrcp.f32 v61;
	_ =	sdelay $0x6  }
0xc0: {  	v62, _, _ =	vpop (xrf2)  }
0xc1: {  	v1 =	vbroadcast v62, $0xF  }
0xc2: {  	v63 =	vpop (erf)  }
0xc3: {  	v1 =	vmul.f32 v1, v63;
	_ =	sdelay $0x1  }
0xc4: {  	s30 =	simm.s32 $0x0;
	[tilespmem:$0xA80] =	vst v1  }
0xc5: {  	[hbm4b:s1+s30] =	stream.linear.scatter [tilespmem:s7], [sflag:$0x1], $0x80, $0x38;
	[tilespmem:$0xD20] =	vst v63  }
0xc6: {  	_ =	swait.ge [sflag:s6], $0x80  }
0xc7: {  	vm15 =	veq.f32 v59, $1.000000000e+00;
	[sflag:s6] =	ssyncset.done $0x0  }
0xc8: {  	v0 =	vsel vm15, $0x1, v56;
	[sflag:s6] =	ssyncadd.s32 $0xFFFFFF80  }
0xc9: {  	s31 =	simm.s32 $0x800;
	[tilespmem:$0x800] =	vst v0  }
0xca: {  	[hbm4b:s2+s30] =	stream.linear.scatter [tilespmem:s31], [sflag:$0x1], $0x80, $0x38;
	[tilespmem:$0xD20] =	vst v63  }
0xcb: {  	_ =	swait.ge [sflag:s6], $0x80  }
0xcc: {  	[sflag:s6] =	ssyncset.done $0x0  }
0xcd: {  	[sflag:s6] =	ssyncadd.s32 $0xFFFFFF80  }
0xce: {  	_ =	sfence.sel $0x180000  }
0xcf: {  	[bflag:$0x0] =	sbarrier.arrive $0xFFFF  }
0xd0: {  	_ =	strace $0x90000047  }
0xd1: {  	s0 =	sadd.s32 $0x100000, s0;
	[bflag:$0x2] =	sbarrier.arrive $0xFFFF  }
0xd2: {  	[sflag:s0] =	ssyncadd.tile.s32 $0x1;
	_ =	shalt  }
.Lfunc_end2:
_tile_overlayer_lowered:
.L_overlay_start_2:
0xd3: {  	(tag) =	ssettag $0x2  }
0xd4: {  	s0 =	rddreg [dreg:$0x0];
	s2 =	stileid.u32  }
0xd5: {  	s1 =	rddreg [dreg:$0x1];
	p0 =	sne.s32 s2, $0x0  }
0xd6: {  	s3 =	rddreg [dreg:$0x2];
	[bflag:$0x3] =	sbarrier.arrive $0xFFFF;
	s2 =	simm.s32 @!p0 $0x1C01  }
0xd7: {  	[timem:s3], [sflag:s2] =	dma.local @!p0 [hbm:s0], s1  }
0xd8: {  	s0 =	simm.s32 @!p0 $0x1  }
0xd9: {  	_ =	swait.ge @!p0 [sflag:s0], s1  }
0xda: {  	s1 =	ssub.s32 @!p0 $0x0, s1;
	[sflag:s0] =	ssyncset.done @!p0 $0x0  }
0xdb: {  	[sflag:s0] =	ssyncadd.s32 @!p0 s1  }
0xdc: {  	[bflag:$0x3] =	sbarrier.arrive $0xFFFF  }
0xdd: {  	_ =	shalt  }

</sc_bundles>
